<compile_context>
chip_gen: v7x
topology: tpu7x:2x2x1
jax: 0.10.2.dev20260603
libtpu: 0.0.44.dev20260713+nightly
codegen_flags: <defaults>
</compile_context>

<pallas_src>
import jax
import jax.numpy as jnp
from jax import lax
from jax.experimental import pallas as pl
from jax.experimental.pallas import tpu as pltpu
from jax.experimental.pallas import tpu_sc as plsc

M = 1000000
D = 16
B = 16384
NC = 2
NS = 16
NW = NC * NS
LANES = 16
RANGE = 62504
TPAD = NS * RANGE
BH = B // NC
BPW = B // NW
NVH = BH // LANES
VPW = BPW // LANES


def _winner_body(idx_hbm, t_hbm, idx_v, tbl_v):
    c = lax.axis_index("c")
    s = lax.axis_index("s")
    lo = s * RANGE
    jbase = c * BH
    pltpu.sync_copy(idx_hbm.at[pl.ds(jbase, BH)], idx_v)

    def step(g, carry):
        for k in range(4):
            v = g * 4 + k
            ids = idx_v[pl.ds(v * LANES, LANES)]
            j = jbase + v * LANES + lax.iota(jnp.int32, LANES)
            mask = (ids >= lo) & (ids < lo + RANGE)
            unused_cnt, last = plsc.scan_count(ids, mask=mask)
            keep = mask & last
            loc = jnp.where(keep, ids - lo, 0)
            plsc.store_scatter(tbl_v, [loc], j, mask=keep)
        return carry

    lax.fori_loop(0, NVH // 4, step, None)
    pltpu.sync_copy(tbl_v, t_hbm.at[pl.ds(c * TPAD + lo, RANGE)])


def _readback_body(idx_hbm, val_hbm, t_hbm, out_hbm,
                   ids_v, off_v, t01_v, t1_v, chk_v, w_v, rows_v, sem):
    wid = lax.axis_index("s") * NC + lax.axis_index("c")
    base = wid * BPW
    pltpu.sync_copy(idx_hbm.at[pl.ds(base, BPW)], ids_v)

    def mkoff(v, carry):
        sl = pl.ds(v * LANES, LANES)
        ids = ids_v[sl]
        off_v[sl] = ids
        off_v[pl.ds(BPW + v * LANES, LANES)] = ids + TPAD
        return carry

    lax.fori_loop(0, VPW, mkoff, None)
    pltpu.async_copy(t_hbm.at[off_v], t01_v, sem).wait()

    def clamp(v, carry):
        sl = pl.ds(v * LANES, LANES)
        t1 = t01_v[pl.ds(BPW + v * LANES, LANES)]
        inb = (t1 >= BH) & (t1 < B)
        spread = BH + (ids_v[sl] & (BH - 1))
        t1_v[sl] = jnp.where(inb, t1, spread)
        return carry

    lax.fori_loop(0, VPW, clamp, None)
    pltpu.async_copy(idx_hbm.at[t1_v], chk_v, sem).wait()

    def pick(v, carry):
        sl = pl.ds(v * LANES, LANES)
        valid = chk_v[sl] == ids_v[sl]
        w_v[sl] = jnp.where(valid, t1_v[sl], t01_v[sl])
        return carry

    lax.fori_loop(0, VPW, pick, None)
    pltpu.async_copy(val_hbm.at[w_v], rows_v, sem).wait()
    pltpu.sync_copy(rows_v, out_hbm.at[pl.ds(base, BPW)])


def kernel(mem, idx, val):
    del mem
    mesh = plsc.VectorSubcoreMesh(core_axis_name="c", subcore_axis_name="s")
    params = pltpu.CompilerParams(
        needs_layout_passes=False,
        use_tc_tiling_on_sc=False,
    )

    winner = pl.kernel(
        _winner_body,
        out_type=jax.ShapeDtypeStruct((NC * TPAD,), jnp.int32),
        mesh=mesh,
        compiler_params=params,
        scratch_types=[
            pltpu.VMEM((BH,), jnp.int32),
            pltpu.VMEM((RANGE,), jnp.int32),
        ],
    )
    t = winner(idx)

    readback = pl.kernel(
        _readback_body,
        out_type=jax.ShapeDtypeStruct((B, D), jnp.float32),
        mesh=mesh,
        compiler_params=params,
        scratch_types=[
            pltpu.VMEM((BPW,), jnp.int32),
            pltpu.VMEM((2 * BPW,), jnp.int32),
            pltpu.VMEM((2 * BPW,), jnp.int32),
            pltpu.VMEM((BPW,), jnp.int32),
            pltpu.VMEM((BPW,), jnp.int32),
            pltpu.VMEM((BPW,), jnp.int32),
            pltpu.VMEM((BPW, D), jnp.float32),
            pltpu.SemaphoreType.DMA,
        ],
    )
    return readback(idx, val, t)

# --- scband reference (transcript-rebuilt; emitter-appended) ---
"""Pipeline reference for scband-meaformer-44813688766573 (READ-ONLY COPY).

The authoritative reference and input builder live on the scoring server;
editing this copy changes nothing except your own understanding.
"""

import jax, jax.numpy as jnp
import numpy as np

M = 1000000
D = 16
B = 16384

def setup_inputs(seed: int = 0) -> dict:
    key = jax.random.key(seed)
    k1, k2, k3 = jax.random.split(key, 3)
    mem = jax.random.normal(k1, (M, D), dtype=jnp.float32)
    # entity ids being written this step (like all_ent_batch in MEAformer)
    idx = jax.random.randint(k2, (B,), 0, M, dtype=jnp.int32)
    # new values to write into the replay memory rows
    val = jax.random.normal(k3, (B, D), dtype=jnp.float32)
    return {"mem": mem, "idx": idx, "val": val}

def reference(mem, idx, val):
    # Core scatter_memory pattern from MEAformer.forward:
    #   self.replay_matrix = self.replay_matrix.index_put(index, new_value)
    # -> scatter-overwrite of rows of a large persistent memory by entity id.
    new_mem = mem.at[idx].set(val)
    # Replay read-back pattern:
    #   neg = self.replay_matrix[batch[:, 0], ...]  (gather rows by entity id)
    read_back = jnp.take(new_mem, idx, axis=0)
    return read_back

if __name__ == "__main__":
    import jax
    _d = setup_inputs()
    print(jax.jit(kernel)(*tuple(_d.values())))

</pallas_src>

<mosaic_0001>
#map = affine_map<(d0, d1) -> (0)>
#map1 = affine_map<(d0, d1) -> (0, 0)>
module attributes {stable_mosaic.version = 14 : i64} {
  func.func @_readback_body(%arg0: i32, %arg1: i32, %arg2: memref<16384xi32, #tpu.memory_space<hbm>>, %arg3: memref<16384x16xf32, #tpu.memory_space<hbm>>, %arg4: memref<2000128xi32, #tpu.memory_space<hbm>>, %arg5: memref<16384x16xf32, #tpu.memory_space<hbm>>, %arg6: memref<512xi32, #tpu.memory_space<vmem>>, %arg7: memref<1024xi32, #tpu.memory_space<vmem>>, %arg8: memref<1024xi32, #tpu.memory_space<vmem>>, %arg9: memref<512xi32, #tpu.memory_space<vmem>>, %arg10: memref<512xi32, #tpu.memory_space<vmem>>, %arg11: memref<512xi32, #tpu.memory_space<vmem>>, %arg12: memref<512x16xf32, #tpu.memory_space<vmem>>, %arg13: memref<!tpu.dma_semaphore, #tpu.memory_space<semaphore_mem>>) attributes {dimension_semantics = [#tpu.dimension_semantics<core_parallel>, #tpu.dimension_semantics<subcore_parallel>], iteration_bounds = array<i64: 2, 16>, scalar_prefetch = 0 : i64, scratch_operands = 8 : i64, tpu.core_type = #tpu.core_type<sc_vector_subcore>, window_params = [{transform_indices = #map}, {transform_indices = #map1}, {transform_indices = #map}, {transform_indices = #map1}]} {
    %mul3A = arith.constant 2 : i32
    %mul3A_0 = arith.muli %arg1, %mul3A : i32
    %add3A = arith.addi %mul3A_0, %arg0 : i32
    %mul3A_1 = arith.constant 512 : i32
    %mul3A_2 = arith.muli %add3A, %mul3A_1 : i32
    "tpu.region"() ({
      %run_scoped3A = tpu.sem_alloc : memref<!tpu.dma_semaphore, #tpu.memory_space<semaphore_mem>>
      %dma_start3A_29 = tpu.memref_slice %arg2[%mul3A_2] : memref<16384xi32, #tpu.memory_space<hbm>> -> memref<512xi32, #tpu.memory_space<hbm>>
      %dma_start3A_30 = tpu.memref_slice %arg2[%mul3A_2] : memref<16384xi32, #tpu.memory_space<hbm>> -> memref<512xi32, #tpu.memory_space<hbm>>
      tpu.enqueue_dma source(%dma_start3A_30 : memref<512xi32, #tpu.memory_space<hbm>>) target(%arg6 : memref<512xi32, #tpu.memory_space<vmem>>) target_semaphore(%run_scoped3A : memref<!tpu.dma_semaphore, #tpu.memory_space<semaphore_mem>>)
      %dma_wait3A_31 = tpu.memref_slice %arg2[%mul3A_2] : memref<16384xi32, #tpu.memory_space<hbm>> -> memref<512xi32, #tpu.memory_space<hbm>>
      %dma_wait3A_32 = tpu.memref_slice %arg2[%mul3A_2] : memref<16384xi32, #tpu.memory_space<hbm>> -> memref<512xi32, #tpu.memory_space<hbm>>
      tpu.wait_dma2 semaphore(%run_scoped3A : memref<!tpu.dma_semaphore, #tpu.memory_space<semaphore_mem>>) src(%dma_wait3A_32 : memref<512xi32, #tpu.memory_space<hbm>>) dst(%arg6 : memref<512xi32, #tpu.memory_space<vmem>>)
      tpu.yield
    }) : () -> ()
    %scan3A = arith.constant 0 : i32
    %scan3A_3 = arith.constant 32 : i32
    %scan3A_4 = arith.addi %scan3A, %scan3A_3 : i32
    %scan3A_5 = arith.constant 1 : i32
    scf.for %scan3A_29 = %scan3A to %scan3A_4 step %scan3A_5  : i32 {
      %mul3A_30 = arith.constant 16 : i32
      %mul3A_31 = arith.muli %scan3A_29, %mul3A_30 : i32
      %get3A = arith.index_cast %mul3A_31 : i32 to index
      %get3A_32 = tpu.vector_load %arg6[%get3A] {strides = array<i32>} : memref<512xi32, #tpu.memory_space<vmem>>, vector<16xi32>,
      %swap3A = arith.index_cast %mul3A_31 : i32 to index
      %swap3A_33 = tpu.vector_load %arg7[%swap3A] {strides = array<i32>} : memref<1024xi32, #tpu.memory_space<vmem>>, vector<16xi32>,
      tpu.vector_store %arg7[%swap3A], %get3A_32 {strides = array<i32>} : memref<1024xi32, #tpu.memory_space<vmem>>, vector<16xi32>,
      %add3A_34 = arith.constant 1000064 : i32
      %add3A_35 = vector.broadcast %add3A_34 : i32 to vector<16xi32>
      %add3A_36 = arith.addi %get3A_32, %add3A_35 : vector<16xi32>
      %mul3A_37 = arith.constant 16 : i32
      %mul3A_38 = arith.muli %scan3A_29, %mul3A_37 : i32
      %add3A_39 = arith.constant 512 : i32
      %add3A_40 = arith.addi %add3A_39, %mul3A_38 : i32
      %swap3A_41 = arith.index_cast %add3A_40 : i32 to index
      %swap3A_42 = tpu.vector_load %arg7[%swap3A_41] {strides = array<i32>} : memref<1024xi32, #tpu.memory_space<vmem>>, vector<16xi32>,
      tpu.vector_store %arg7[%swap3A_41], %add3A_36 {strides = array<i32>} : memref<1024xi32, #tpu.memory_space<vmem>>, vector<16xi32>,
    }
    %scan3A_6 = arith.constant 32 : i32
    %dma_start3A = arith.constant 0 : i32
    %dma_start3A_7 = tpu.memref_slice %arg4[%dma_start3A] : memref<2000128xi32, #tpu.memory_space<hbm>> -> memref<2000128xi32, #tpu.memory_space<hbm>>
    tpu.enqueue_indirect_dma source(%dma_start3A_7 : memref<2000128xi32, #tpu.memory_space<hbm>>) target(%arg8 : memref<1024xi32, #tpu.memory_space<vmem>>) offsets(%arg7 : memref<1024xi32, #tpu.memory_space<vmem>>) semaphore(%arg13 : memref<!tpu.dma_semaphore, #tpu.memory_space<semaphore_mem>>)
    %dma_wait3A = arith.constant 0 : i32
    %dma_wait3A_8 = tpu.memref_slice %arg4[%dma_wait3A] : memref<2000128xi32, #tpu.memory_space<hbm>> -> memref<2000128xi32, #tpu.memory_space<hbm>>
    tpu.wait_indirect_dma semaphore(%arg13 : memref<!tpu.dma_semaphore, #tpu.memory_space<semaphore_mem>>) src(%dma_wait3A_8 : memref<2000128xi32, #tpu.memory_space<hbm>>) dst(%arg8 : memref<1024xi32, #tpu.memory_space<vmem>>)
    %scan3A_9 = arith.constant 0 : i32
    %scan3A_10 = arith.constant 32 : i32
    %scan3A_11 = arith.addi %scan3A_9, %scan3A_10 : i32
    %scan3A_12 = arith.constant 1 : i32
    scf.for %scan3A_29 = %scan3A_9 to %scan3A_11 step %scan3A_12  : i32 {
      %mul3A_30 = arith.constant 16 : i32
      %mul3A_31 = arith.muli %scan3A_29, %mul3A_30 : i32
      %mul3A_32 = arith.constant 16 : i32
      %mul3A_33 = arith.muli %scan3A_29, %mul3A_32 : i32
      %add3A_34 = arith.constant 512 : i32
      %add3A_35 = arith.addi %add3A_34, %mul3A_33 : i32
      %get3A = arith.index_cast %add3A_35 : i32 to index
      %get3A_36 = tpu.vector_load %arg8[%get3A] {strides = array<i32>} : memref<1024xi32, #tpu.memory_space<vmem>>, vector<16xi32>,
      %ge3A = arith.constant 8192 : i32
      %ge3A_37 = vector.broadcast %ge3A : i32 to vector<16xi32>
      %ge3A_38 = arith.cmpi sge, %get3A_36, %ge3A_37 : vector<16xi32>
      %lt3A = arith.constant 16384 : i32
      %lt3A_39 = vector.broadcast %lt3A : i32 to vector<16xi32>
      %lt3A_40 = arith.cmpi slt, %get3A_36, %lt3A_39 : vector<16xi32>
      %and3A = arith.andi %ge3A_38, %lt3A_40 : vector<16xi1>
      %get3A_41 = arith.index_cast %mul3A_31 : i32 to index
      %get3A_42 = tpu.vector_load %arg6[%get3A_41] {strides = array<i32>} : memref<512xi32, #tpu.memory_space<vmem>>, vector<16xi32>,
      %and3A_43 = arith.constant 8191 : i32
      %and3A_44 = vector.broadcast %and3A_43 : i32 to vector<16xi32>
      %and3A_45 = arith.andi %get3A_42, %and3A_44 : vector<16xi32>
      %add3A_46 = arith.constant 8192 : i32
      %add3A_47 = vector.broadcast %add3A_46 : i32 to vector<16xi32>
      %add3A_48 = arith.addi %add3A_47, %and3A_45 : vector<16xi32>
      %select_n3A = arith.select %and3A, %get3A_36, %add3A_48 : vector<16xi1>, vector<16xi32>
      %swap3A = arith.index_cast %mul3A_31 : i32 to index
      %swap3A_49 = tpu.vector_load %arg9[%swap3A] {strides = array<i32>} : memref<512xi32, #tpu.memory_space<vmem>>, vector<16xi32>,
      tpu.vector_store %arg9[%swap3A], %select_n3A {strides = array<i32>} : memref<512xi32, #tpu.memory_space<vmem>>, vector<16xi32>,
    }
    %scan3A_13 = arith.constant 32 : i32
    %dma_start3A_14 = arith.constant 0 : i32
    %dma_start3A_15 = tpu.memref_slice %arg2[%dma_start3A_14] : memref<16384xi32, #tpu.memory_space<hbm>> -> memref<16384xi32, #tpu.memory_space<hbm>>
    tpu.enqueue_indirect_dma source(%dma_start3A_15 : memref<16384xi32, #tpu.memory_space<hbm>>) target(%arg10 : memref<512xi32, #tpu.memory_space<vmem>>) offsets(%arg9 : memref<512xi32, #tpu.memory_space<vmem>>) semaphore(%arg13 : memref<!tpu.dma_semaphore, #tpu.memory_space<semaphore_mem>>)
    %dma_wait3A_16 = arith.constant 0 : i32
    %dma_wait3A_17 = tpu.memref_slice %arg2[%dma_wait3A_16] : memref<16384xi32, #tpu.memory_space<hbm>> -> memref<16384xi32, #tpu.memory_space<hbm>>
    tpu.wait_indirect_dma semaphore(%arg13 : memref<!tpu.dma_semaphore, #tpu.memory_space<semaphore_mem>>) src(%dma_wait3A_17 : memref<16384xi32, #tpu.memory_space<hbm>>) dst(%arg10 : memref<512xi32, #tpu.memory_space<vmem>>)
    %scan3A_18 = arith.constant 0 : i32
    %scan3A_19 = arith.constant 32 : i32
    %scan3A_20 = arith.addi %scan3A_18, %scan3A_19 : i32
    %scan3A_21 = arith.constant 1 : i32
    scf.for %scan3A_29 = %scan3A_18 to %scan3A_20 step %scan3A_21  : i32 {
      %mul3A_30 = arith.constant 16 : i32
      %mul3A_31 = arith.muli %scan3A_29, %mul3A_30 : i32
      %get3A = arith.index_cast %mul3A_31 : i32 to index
      %get3A_32 = tpu.vector_load %arg10[%get3A] {strides = array<i32>} : memref<512xi32, #tpu.memory_space<vmem>>, vector<16xi32>,
      %get3A_33 = arith.index_cast %mul3A_31 : i32 to index
      %get3A_34 = tpu.vector_load %arg6[%get3A_33] {strides = array<i32>} : memref<512xi32, #tpu.memory_space<vmem>>, vector<16xi32>,
      %eq3A = arith.cmpi eq, %get3A_32, %get3A_34 : vector<16xi32>
      %get3A_35 = arith.index_cast %mul3A_31 : i32 to index
      %get3A_36 = tpu.vector_load %arg9[%get3A_35] {strides = array<i32>} : memref<512xi32, #tpu.memory_space<vmem>>, vector<16xi32>,
      %get3A_37 = arith.index_cast %mul3A_31 : i32 to index
      %get3A_38 = tpu.vector_load %arg8[%get3A_37] {strides = array<i32>} : memref<1024xi32, #tpu.memory_space<vmem>>, vector<16xi32>,
      %select_n3A = arith.select %eq3A, %get3A_36, %get3A_38 : vector<16xi1>, vector<16xi32>
      %swap3A = arith.index_cast %mul3A_31 : i32 to index
      %swap3A_39 = tpu.vector_load %arg11[%swap3A] {strides = array<i32>} : memref<512xi32, #tpu.memory_space<vmem>>, vector<16xi32>,
      tpu.vector_store %arg11[%swap3A], %select_n3A {strides = array<i32>} : memref<512xi32, #tpu.memory_space<vmem>>, vector<16xi32>,
    }
    %scan3A_22 = arith.constant 32 : i32
    %dma_start3A_23 = arith.constant 0 : i32
    %dma_start3A_24 = arith.constant 0 : i32
    %dma_start3A_25 = tpu.memref_slice %arg3[%dma_start3A_23, %dma_start3A_24] : memref<16384x16xf32, #tpu.memory_space<hbm>> -> memref<16384x16xf32, #tpu.memory_space<hbm>>
    tpu.enqueue_indirect_dma source(%dma_start3A_25 : memref<16384x16xf32, #tpu.memory_space<hbm>>) target(%arg12 : memref<512x16xf32, #tpu.memory_space<vmem>>) offsets(%arg11 : memref<512xi32, #tpu.memory_space<vmem>>) semaphore(%arg13 : memref<!tpu.dma_semaphore, #tpu.memory_space<semaphore_mem>>)
    %dma_wait3A_26 = arith.constant 0 : i32
    %dma_wait3A_27 = arith.constant 0 : i32
    %dma_wait3A_28 = tpu.memref_slice %arg3[%dma_wait3A_26, %dma_wait3A_27] : memref<16384x16xf32, #tpu.memory_space<hbm>> -> memref<16384x16xf32, #tpu.memory_space<hbm>>
    tpu.wait_indirect_dma semaphore(%arg13 : memref<!tpu.dma_semaphore, #tpu.memory_space<semaphore_mem>>) src(%dma_wait3A_28 : memref<16384x16xf32, #tpu.memory_space<hbm>>) dst(%arg12 : memref<512x16xf32, #tpu.memory_space<vmem>>)
    "tpu.region"() ({
      %run_scoped3A = tpu.sem_alloc : memref<!tpu.dma_semaphore, #tpu.memory_space<semaphore_mem>>
      %dma_start3A_29 = arith.constant 0 : i32
      %dma_start3A_30 = tpu.memref_slice %arg5[%mul3A_2, %dma_start3A_29] : memref<16384x16xf32, #tpu.memory_space<hbm>> -> memref<512x16xf32, #tpu.memory_space<hbm>>
      %dma_start3A_31 = arith.constant 0 : i32
      %dma_start3A_32 = tpu.memref_slice %arg5[%mul3A_2, %dma_start3A_31] : memref<16384x16xf32, #tpu.memory_space<hbm>> -> memref<512x16xf32, #tpu.memory_space<hbm>>
      tpu.enqueue_dma source(%arg12 : memref<512x16xf32, #tpu.memory_space<vmem>>) target(%dma_start3A_32 : memref<512x16xf32, #tpu.memory_space<hbm>>) target_semaphore(%run_scoped3A : memref<!tpu.dma_semaphore, #tpu.memory_space<semaphore_mem>>)
      %dma_wait3A_33 = arith.constant 0 : i32
      %dma_wait3A_34 = tpu.memref_slice %arg5[%mul3A_2, %dma_wait3A_33] : memref<16384x16xf32, #tpu.memory_space<hbm>> -> memref<512x16xf32, #tpu.memory_space<hbm>>
      %dma_wait3A_35 = arith.constant 0 : i32
      %dma_wait3A_36 = tpu.memref_slice %arg5[%mul3A_2, %dma_wait3A_35] : memref<16384x16xf32, #tpu.memory_space<hbm>> -> memref<512x16xf32, #tpu.memory_space<hbm>>
      tpu.wait_dma2 semaphore(%run_scoped3A : memref<!tpu.dma_semaphore, #tpu.memory_space<semaphore_mem>>) src(%arg12 : memref<512x16xf32, #tpu.memory_space<vmem>>) dst(%dma_wait3A_36 : memref<512x16xf32, #tpu.memory_space<hbm>>)
      tpu.yield
    }) : () -> ()
    return
  }
}

#map = affine_map<(d0, d1) -> (0)>
module attributes {stable_mosaic.version = 14 : i64} {
  func.func @_winner_body(%arg0: i32, %arg1: i32, %arg2: memref<16384xi32, #tpu.memory_space<hbm>>, %arg3: memref<2000128xi32, #tpu.memory_space<hbm>>, %arg4: memref<8192xi32, #tpu.memory_space<vmem>>, %arg5: memref<62504xi32, #tpu.memory_space<vmem>>) attributes {dimension_semantics = [#tpu.dimension_semantics<core_parallel>, #tpu.dimension_semantics<subcore_parallel>], iteration_bounds = array<i64: 2, 16>, scalar_prefetch = 0 : i64, scratch_operands = 2 : i64, tpu.core_type = #tpu.core_type<sc_vector_subcore>, window_params = [{transform_indices = #map}, {transform_indices = #map}]} {
    %mul3A = arith.constant 62504 : i32
    %mul3A_0 = arith.muli %arg1, %mul3A : i32
    %mul3A_1 = arith.constant 8192 : i32
    %mul3A_2 = arith.muli %arg0, %mul3A_1 : i32
    "tpu.region"() ({
      %run_scoped3A = tpu.sem_alloc : memref<!tpu.dma_semaphore, #tpu.memory_space<semaphore_mem>>
      %dma_start3A = tpu.memref_slice %arg2[%mul3A_2] : memref<16384xi32, #tpu.memory_space<hbm>> -> memref<8192xi32, #tpu.memory_space<hbm>>
      %dma_start3A_9 = tpu.memref_slice %arg2[%mul3A_2] : memref<16384xi32, #tpu.memory_space<hbm>> -> memref<8192xi32, #tpu.memory_space<hbm>>
      tpu.enqueue_dma source(%dma_start3A_9 : memref<8192xi32, #tpu.memory_space<hbm>>) target(%arg4 : memref<8192xi32, #tpu.memory_space<vmem>>) target_semaphore(%run_scoped3A : memref<!tpu.dma_semaphore, #tpu.memory_space<semaphore_mem>>)
      %dma_wait3A = tpu.memref_slice %arg2[%mul3A_2] : memref<16384xi32, #tpu.memory_space<hbm>> -> memref<8192xi32, #tpu.memory_space<hbm>>
      %dma_wait3A_10 = tpu.memref_slice %arg2[%mul3A_2] : memref<16384xi32, #tpu.memory_space<hbm>> -> memref<8192xi32, #tpu.memory_space<hbm>>
      tpu.wait_dma2 semaphore(%run_scoped3A : memref<!tpu.dma_semaphore, #tpu.memory_space<semaphore_mem>>) src(%dma_wait3A_10 : memref<8192xi32, #tpu.memory_space<hbm>>) dst(%arg4 : memref<8192xi32, #tpu.memory_space<vmem>>)
      tpu.yield
    }) : () -> ()
    %scan3A = arith.constant 0 : i32
    %scan3A_3 = arith.constant 128 : i32
    %scan3A_4 = arith.addi %scan3A, %scan3A_3 : i32
    %scan3A_5 = arith.constant 1 : i32
    scf.for %scan3A_9 = %scan3A to %scan3A_4 step %scan3A_5  : i32 {
      %mul3A_10 = arith.constant 4 : i32
      %mul3A_11 = arith.muli %scan3A_9, %mul3A_10 : i32
      %add3A_12 = arith.constant 0 : i32
      %add3A_13 = arith.addi %mul3A_11, %add3A_12 : i32
      %mul3A_14 = arith.constant 16 : i32
      %mul3A_15 = arith.muli %add3A_13, %mul3A_14 : i32
      %get3A = arith.index_cast %mul3A_15 : i32 to index
      %get3A_16 = tpu.vector_load %arg4[%get3A] {strides = array<i32>} : memref<8192xi32, #tpu.memory_space<vmem>>, vector<16xi32>,
      %mul3A_17 = arith.constant 16 : i32
      %mul3A_18 = arith.muli %add3A_13, %mul3A_17 : i32
      %add3A_19 = arith.addi %mul3A_2, %mul3A_18 : i32
      %iota3A = tpu.iota {dimensions = array<i32: 0>} : vector<16xi32>
      %add3A_20 = vector.broadcast %add3A_19 : i32 to vector<16xi32>
      %add3A_21 = arith.addi %add3A_20, %iota3A : vector<16xi32>
      %ge3A = vector.broadcast %mul3A_0 : i32 to vector<16xi32>
      %ge3A_22 = arith.cmpi sge, %get3A_16, %ge3A : vector<16xi32>
      %add3A_23 = arith.constant 62504 : i32
      %add3A_24 = arith.addi %mul3A_0, %add3A_23 : i32
      %lt3A = vector.broadcast %add3A_24 : i32 to vector<16xi32>
      %lt3A_25 = arith.cmpi slt, %get3A_16, %lt3A : vector<16xi32>
      %and3A = arith.andi %ge3A_22, %lt3A_25 : vector<16xi1>
      %unique3A, %unique3A_26 = tpu.scan_count mask(%and3A : vector<16xi1>) value(%get3A_16 : vector<16xi32>) : vector<16xi1>, vector<16xi32>
      %and3A_27 = arith.andi %and3A, %unique3A : vector<16xi1>
      %sub3A = vector.broadcast %mul3A_0 : i32 to vector<16xi32>
      %sub3A_28 = arith.subi %get3A_16, %sub3A : vector<16xi32>
      %jit3A = arith.constant 0 : i32
      %broadcast_in_dim3A = vector.broadcast %jit3A : i32 to vector<16xi32>
      %select_n3A = arith.select %and3A_27, %sub3A_28, %broadcast_in_dim3A : vector<16xi1>, vector<16xi32>
      tpu.vector_store_idx %arg5[%select_n3A], %add3A_21 masked %and3A_27 : memref<62504xi32, #tpu.memory_space<vmem>>[vector<16xi32>], vector<16xi32>, vector<16xi1>
      %mul3A_29 = arith.constant 4 : i32
      %mul3A_30 = arith.muli %scan3A_9, %mul3A_29 : i32
      %add3A_31 = arith.constant 1 : i32
      %add3A_32 = arith.addi %mul3A_30, %add3A_31 : i32
      %mul3A_33 = arith.constant 16 : i32
      %mul3A_34 = arith.muli %add3A_32, %mul3A_33 : i32
      %get3A_35 = arith.index_cast %mul3A_34 : i32 to index
      %get3A_36 = tpu.vector_load %arg4[%get3A_35] {strides = array<i32>} : memref<8192xi32, #tpu.memory_space<vmem>>, vector<16xi32>,
      %mul3A_37 = arith.constant 16 : i32
      %mul3A_38 = arith.muli %add3A_32, %mul3A_37 : i32
      %add3A_39 = arith.addi %mul3A_2, %mul3A_38 : i32
      %iota3A_40 = tpu.iota {dimensions = array<i32: 0>} : vector<16xi32>
      %add3A_41 = vector.broadcast %add3A_39 : i32 to vector<16xi32>
      %add3A_42 = arith.addi %add3A_41, %iota3A_40 : vector<16xi32>
      %ge3A_43 = vector.broadcast %mul3A_0 : i32 to vector<16xi32>
      %ge3A_44 = arith.cmpi sge, %get3A_36, %ge3A_43 : vector<16xi32>
      %add3A_45 = arith.constant 62504 : i32
      %add3A_46 = arith.addi %mul3A_0, %add3A_45 : i32
      %lt3A_47 = vector.broadcast %add3A_46 : i32 to vector<16xi32>
      %lt3A_48 = arith.cmpi slt, %get3A_36, %lt3A_47 : vector<16xi32>
      %and3A_49 = arith.andi %ge3A_44, %lt3A_48 : vector<16xi1>
      %unique3A_50, %unique3A_51 = tpu.scan_count mask(%and3A_49 : vector<16xi1>) value(%get3A_36 : vector<16xi32>) : vector<16xi1>, vector<16xi32>
      %and3A_52 = arith.andi %and3A_49, %unique3A_50 : vector<16xi1>
      %sub3A_53 = vector.broadcast %mul3A_0 : i32 to vector<16xi32>
      %sub3A_54 = arith.subi %get3A_36, %sub3A_53 : vector<16xi32>
      %jit3A_55 = arith.constant 0 : i32
      %broadcast_in_dim3A_56 = vector.broadcast %jit3A_55 : i32 to vector<16xi32>
      %select_n3A_57 = arith.select %and3A_52, %sub3A_54, %broadcast_in_dim3A_56 : vector<16xi1>, vector<16xi32>
      tpu.vector_store_idx %arg5[%select_n3A_57], %add3A_42 masked %and3A_52 : memref<62504xi32, #tpu.memory_space<vmem>>[vector<16xi32>], vector<16xi32>, vector<16xi1>
      %mul3A_58 = arith.constant 4 : i32
      %mul3A_59 = arith.muli %scan3A_9, %mul3A_58 : i32
      %add3A_60 = arith.constant 2 : i32
      %add3A_61 = arith.addi %mul3A_59, %add3A_60 : i32
      %mul3A_62 = arith.constant 16 : i32
      %mul3A_63 = arith.muli %add3A_61, %mul3A_62 : i32
      %get3A_64 = arith.index_cast %mul3A_63 : i32 to index
      %get3A_65 = tpu.vector_load %arg4[%get3A_64] {strides = array<i32>} : memref<8192xi32, #tpu.memory_space<vmem>>, vector<16xi32>,
      %mul3A_66 = arith.constant 16 : i32
      %mul3A_67 = arith.muli %add3A_61, %mul3A_66 : i32
      %add3A_68 = arith.addi %mul3A_2, %mul3A_67 : i32
      %iota3A_69 = tpu.iota {dimensions = array<i32: 0>} : vector<16xi32>
      %add3A_70 = vector.broadcast %add3A_68 : i32 to vector<16xi32>
      %add3A_71 = arith.addi %add3A_70, %iota3A_69 : vector<16xi32>
      %ge3A_72 = vector.broadcast %mul3A_0 : i32 to vector<16xi32>
      %ge3A_73 = arith.cmpi sge, %get3A_65, %ge3A_72 : vector<16xi32>
      %add3A_74 = arith.constant 62504 : i32
      %add3A_75 = arith.addi %mul3A_0, %add3A_74 : i32
      %lt3A_76 = vector.broadcast %add3A_75 : i32 to vector<16xi32>
      %lt3A_77 = arith.cmpi slt, %get3A_65, %lt3A_76 : vector<16xi32>
      %and3A_78 = arith.andi %ge3A_73, %lt3A_77 : vector<16xi1>
      %unique3A_79, %unique3A_80 = tpu.scan_count mask(%and3A_78 : vector<16xi1>) value(%get3A_65 : vector<16xi32>) : vector<16xi1>, vector<16xi32>
      %and3A_81 = arith.andi %and3A_78, %unique3A_79 : vector<16xi1>
      %sub3A_82 = vector.broadcast %mul3A_0 : i32 to vector<16xi32>
      %sub3A_83 = arith.subi %get3A_65, %sub3A_82 : vector<16xi32>
      %jit3A_84 = arith.constant 0 : i32
      %broadcast_in_dim3A_85 = vector.broadcast %jit3A_84 : i32 to vector<16xi32>
      %select_n3A_86 = arith.select %and3A_81, %sub3A_83, %broadcast_in_dim3A_85 : vector<16xi1>, vector<16xi32>
      tpu.vector_store_idx %arg5[%select_n3A_86], %add3A_71 masked %and3A_81 : memref<62504xi32, #tpu.memory_space<vmem>>[vector<16xi32>], vector<16xi32>, vector<16xi1>
      %mul3A_87 = arith.constant 4 : i32
      %mul3A_88 = arith.muli %scan3A_9, %mul3A_87 : i32
      %add3A_89 = arith.constant 3 : i32
      %add3A_90 = arith.addi %mul3A_88, %add3A_89 : i32
      %mul3A_91 = arith.constant 16 : i32
      %mul3A_92 = arith.muli %add3A_90, %mul3A_91 : i32
      %get3A_93 = arith.index_cast %mul3A_92 : i32 to index
      %get3A_94 = tpu.vector_load %arg4[%get3A_93] {strides = array<i32>} : memref<8192xi32, #tpu.memory_space<vmem>>, vector<16xi32>,
      %mul3A_95 = arith.constant 16 : i32
      %mul3A_96 = arith.muli %add3A_90, %mul3A_95 : i32
      %add3A_97 = arith.addi %mul3A_2, %mul3A_96 : i32
      %iota3A_98 = tpu.iota {dimensions = array<i32: 0>} : vector<16xi32>
      %add3A_99 = vector.broadcast %add3A_97 : i32 to vector<16xi32>
      %add3A_100 = arith.addi %add3A_99, %iota3A_98 : vector<16xi32>
      %ge3A_101 = vector.broadcast %mul3A_0 : i32 to vector<16xi32>
      %ge3A_102 = arith.cmpi sge, %get3A_94, %ge3A_101 : vector<16xi32>
      %add3A_103 = arith.constant 62504 : i32
      %add3A_104 = arith.addi %mul3A_0, %add3A_103 : i32
      %lt3A_105 = vector.broadcast %add3A_104 : i32 to vector<16xi32>
      %lt3A_106 = arith.cmpi slt, %get3A_94, %lt3A_105 : vector<16xi32>
      %and3A_107 = arith.andi %ge3A_102, %lt3A_106 : vector<16xi1>
      %unique3A_108, %unique3A_109 = tpu.scan_count mask(%and3A_107 : vector<16xi1>) value(%get3A_94 : vector<16xi32>) : vector<16xi1>, vector<16xi32>
      %and3A_110 = arith.andi %and3A_107, %unique3A_108 : vector<16xi1>
      %sub3A_111 = vector.broadcast %mul3A_0 : i32 to vector<16xi32>
      %sub3A_112 = arith.subi %get3A_94, %sub3A_111 : vector<16xi32>
      %jit3A_113 = arith.constant 0 : i32
      %broadcast_in_dim3A_114 = vector.broadcast %jit3A_113 : i32 to vector<16xi32>
      %select_n3A_115 = arith.select %and3A_110, %sub3A_112, %broadcast_in_dim3A_114 : vector<16xi1>, vector<16xi32>
      tpu.vector_store_idx %arg5[%select_n3A_115], %add3A_100 masked %and3A_110 : memref<62504xi32, #tpu.memory_space<vmem>>[vector<16xi32>], vector<16xi32>, vector<16xi1>
    }
    %scan3A_6 = arith.constant 128 : i32
    %mul3A_7 = arith.constant 1000064 : i32
    %mul3A_8 = arith.muli %arg0, %mul3A_7 : i32
    %add3A = arith.addi %mul3A_8, %mul3A_0 : i32
    "tpu.region"() ({
      %run_scoped3A = tpu.sem_alloc : memref<!tpu.dma_semaphore, #tpu.memory_space<semaphore_mem>>
      %dma_start3A = tpu.memref_slice %arg3[%add3A] : memref<2000128xi32, #tpu.memory_space<hbm>> -> memref<62504xi32, #tpu.memory_space<hbm>>
      %dma_start3A_9 = tpu.memref_slice %arg3[%add3A] : memref<2000128xi32, #tpu.memory_space<hbm>> -> memref<62504xi32, #tpu.memory_space<hbm>>
      tpu.enqueue_dma source(%arg5 : memref<62504xi32, #tpu.memory_space<vmem>>) target(%dma_start3A_9 : memref<62504xi32, #tpu.memory_space<hbm>>) target_semaphore(%run_scoped3A : memref<!tpu.dma_semaphore, #tpu.memory_space<semaphore_mem>>)
      %dma_wait3A = tpu.memref_slice %arg3[%add3A] : memref<2000128xi32, #tpu.memory_space<hbm>> -> memref<62504xi32, #tpu.memory_space<hbm>>
      %dma_wait3A_10 = tpu.memref_slice %arg3[%add3A] : memref<2000128xi32, #tpu.memory_space<hbm>> -> memref<62504xi32, #tpu.memory_space<hbm>>
      tpu.wait_dma2 semaphore(%run_scoped3A : memref<!tpu.dma_semaphore, #tpu.memory_space<semaphore_mem>>) src(%arg5 : memref<62504xi32, #tpu.memory_space<vmem>>) dst(%dma_wait3A_10 : memref<62504xi32, #tpu.memory_space<hbm>>)
      tpu.yield
    }) : () -> ()
    return
  }
}

</mosaic_0001>

<sc_bundles>
// kernel: kernel.4.cloned.1.call-start
scs
__scs_entry_jumppad:
0x0: {  	(pc) =	sbr.rel $0x88, $3  }
0x1: {  	(tag) =	ssettag $0x0;
	lr =	simm.s32 $0x1  }
0x2: {  	[smem:$0x3F9F] =	sst lr;
	_ =	strace $0xD0000000  }
0x3: {  	_ = 	snop  }
0x4: {  	_ = 	snop  }
0x5: {  	_ = 	snop  }
0x6: {  	_ = 	snop  }
0x7: {  	_ = 	snop  }
__scs_overlays_trampoline_lowered:
0x8: {  	[smem:$0x3FAE] =	sst s0  }
0x9: {  	[smem:$0x3FAF] =	sst s1  }
0xa: {  	[smem:$0x3FB0] =	sst s2  }
0xb: {  	[smem:$0x3FB1] =	sst s3  }
0xc: {  	[smem:$0x3FB2] =	sst s4  }
0xd: {  	[smem:$0x3FB3] =	sst s5  }
0xe: {  	[smem:$0x3FB4] =	sst s6  }
0xf: {  	[smem:$0x3FB5] =	sst s7  }
0x10: {  	[smem:$0x3FB6] =	sst s8  }
0x11: {  	[smem:$0x3FB7] =	sst s9;
	s0 =	simm.s32 @!p0 $0x0  }
0x12: {  	s1 =	sld [smem:$0x3F9D];
	s0 =	simm.s32 @p0 $0x1  }
0x13: {  	[smem:$0x3FB8] =	sst s0;
	s0 =	simm.s32 @!p1 $0x0  }
0x14: {  	s2 =	sld [smem:$0x3F9C];
	s0 =	simm.s32 @p1 $0x1  }
0x15: {  	[smem:$0x3FB9] =	sst s0;
	s0 =	simm.s32 @!p2 $0x0  }
0x16: {  	s3 =	sld [smem:$0x3FDB];
	s0 =	simm.s32 @p2 $0x1  }
0x17: {  	s4 =	simm.s32 $0x1BF5;
	[smem:$0x3FBB] =	sst s0  }
0x18: {  	s0 =	sld [smem:$0x3F9E];
	_ =	swait.ge [sflag:s4], $0x0  }
0x19: {  	s7 =	sld [smem:$0x3F9F]  }
0x1a: {  	s8 =	sadd.s32 $0xFFFFE003, lr  }
0x1b: {  	s9 =	sadd.s32 $0xFFFFFEF7, lr;
	s5 =	simm.s32 $0xFFFFFFFF;
	p2 =	slt.u32 s8, $0xFFFFF086  }
0x1c: {  	p1 =	slt.u32 s9, $0xF7A;
	s5 =	simm.s32 @!p2 $0x0  }
0x1d: {  	s5 =	simm.s32 @p1 $0x1;
	p0 =	seq.s32 s7, s2  }
0x1e: {  	s7 =	smul.u32 @!p0 $0xF7A, s2;
	p2 =	seq.s32 @!p0 s5, $0x0  }
0x1f: {  	s9 =	smul.u32 $0xF7A, s1;
	s8 =	simm.s32 @!p0 $0x1BF5;
	p2 =	por !p2, p0  }
0x20: {  	[sflag:s8] =	ssyncset.s32 @!p0 $0xFFFFF086;
	s6 =	sadd.s32 @!p0 s3, s7;
	s7 =	simm.s32 @!p0 $0x108  }
0x21: {  	s3 =	sadd.s32 s3, s9;
	s6 =	sadd.s32 @!p0 $0x88, s6;
	s7 =	simm.s32 @p2 $0x1082  }
0x22: {  	[simem:s7], [sflag:s8] =	dma.local @!p0 [hbm:s6], $0xF7A  }
0x23: {  	s9 =	sor.u32 $0xD0000000, s2;
	s6 =	simm.s32 $0x108;
	_ =	swait.ge @!p0 [sflag:s8], $0x0  }
0x24: {  	s3 =	sadd.s32 $0x88, s3;
	s6 =	simm.s32 @!p1 $0x1082;
	[sflag:s4] =	ssyncset.s32 $0xFFFFF086  }
0x25: {  	[simem:s6], [sflag:s4] =	dma.local [hbm:s3], $0xF7A  }
0x26: {  	[smem:$0x3F9F] =	sst s1;
	(tag) =	ssettag s2;
	_ =	strace s9  }
0x27: {  	s1 =	sld [smem:$0x3FAF]  }
0x28: {  	s2 =	sld [smem:$0x3FB0]  }
0x29: {  	s4 =	sld [smem:$0x3FB2]  }
0x2a: {  	p0 =	seq.s32 s5, $0x0;
	s5 =	sld [smem:$0x3FB3]  }
0x2b: {  	s6 =	sld [smem:$0x3FB4]  }
0x2c: {  	s7 =	sld [smem:$0x3FB5]  }
0x2d: {  	s3 =	simm.s32 $0x108;
	s8 =	sld [smem:$0x3FB6]  }
0x2e: {  	s3 =	simm.s32 @!p0 $0x1082;
	s9 =	sld [smem:$0x3FB7]  }
0x2f: {  	lr =	sadd.s32 s0, s3;
	s0 =	sld [smem:$0x3FAE]  }
0x30: {  	s3 =	sld [smem:$0x3FB1]  }
0x31: {  	[smem:$0x3FBA] =	sst s10  }
0x32: {  	s10 =	sld [smem:$0x3FB8];
	_ =	sdelay $0x3  }
0x33: {  	p0 =	seq.s32 s10, $0x1;
	s10 =	sld [smem:$0x3FBA];
	_ =	sdelay $0x3  }
0x34: {  	[smem:$0x3FBA] =	sst s10  }
0x35: {  	s10 =	sld [smem:$0x3FB9];
	_ =	sdelay $0x3  }
0x36: {  	p1 =	seq.s32 s10, $0x1;
	s10 =	sld [smem:$0x3FBA];
	_ =	sdelay $0x3  }
0x37: {  	[smem:$0x3FBA] =	sst s10  }
0x38: {  	s10 =	sld [smem:$0x3FBB]  }
0x39: {  	_ = 	snop;
	(pc) =	sbr.ind lr, $3  }
0x3a: {  	_ = 	snop  }
0x3b: {  	_ = 	snop  }
0x3c: {  	p2 =	seq.s32 s10, $0x1;
	s10 =	sld [smem:$0x3FBA]  }
0x3d: {  	_ =	shalt  }
0x3e: {  	_ =	shalt  }
0x3f: {  	_ =	shalt  }
0x40: {  	_ =	shalt  }
0x41: {  	_ =	shalt  }
0x42: {  	_ =	shalt  }
0x43: {  	_ =	shalt  }
0x44: {  	_ =	shalt  }
0x45: {  	_ =	shalt  }
0x46: {  	_ =	shalt  }
0x47: {  	_ =	shalt  }
0x48: {  	_ =	shalt  }
0x49: {  	_ =	shalt  }
0x4a: {  	_ =	shalt  }
0x4b: {  	_ =	shalt  }
0x4c: {  	_ =	shalt  }
0x4d: {  	_ =	shalt  }
0x4e: {  	_ =	shalt  }
0x4f: {  	_ =	shalt  }
0x50: {  	_ =	shalt  }
0x51: {  	_ =	shalt  }
0x52: {  	_ =	shalt  }
0x53: {  	_ =	shalt  }
0x54: {  	_ =	shalt  }
0x55: {  	_ =	shalt  }
0x56: {  	_ =	shalt  }
0x57: {  	_ =	shalt  }
0x58: {  	_ =	shalt  }
0x59: {  	_ =	shalt  }
0x5a: {  	_ =	shalt  }
0x5b: {  	_ =	shalt  }
0x5c: {  	_ =	shalt  }
0x5d: {  	_ =	shalt  }
0x5e: {  	_ =	shalt  }
0x5f: {  	_ =	shalt  }
0x60: {  	_ =	shalt  }
0x61: {  	_ =	shalt  }
0x62: {  	_ =	shalt  }
0x63: {  	_ =	shalt  }
0x64: {  	_ =	shalt  }
0x65: {  	_ =	shalt  }
0x66: {  	_ =	shalt  }
0x67: {  	_ =	shalt  }
0x68: {  	_ =	shalt  }
0x69: {  	_ =	shalt  }
0x6a: {  	_ =	shalt  }
0x6b: {  	_ =	shalt  }
0x6c: {  	_ =	shalt  }
0x6d: {  	_ =	shalt  }
0x6e: {  	_ =	shalt  }
0x6f: {  	_ =	shalt  }
0x70: {  	_ =	shalt  }
0x71: {  	_ =	shalt  }
0x72: {  	_ =	shalt  }
0x73: {  	_ =	shalt  }
0x74: {  	_ =	shalt  }
0x75: {  	_ =	shalt  }
0x76: {  	_ =	shalt  }
0x77: {  	_ =	shalt  }
0x78: {  	_ =	shalt  }
0x79: {  	_ =	shalt  }
0x7a: {  	_ =	shalt  }
0x7b: {  	_ =	shalt  }
0x7c: {  	_ =	shalt  }
0x7d: {  	_ =	shalt  }
0x7e: {  	_ =	shalt  }
0x7f: {  	_ =	shalt  }
0x80: {  	_ =	shalt  }
0x81: {  	_ =	shalt  }
0x82: {  	_ =	shalt  }
0x83: {  	_ =	shalt  }
0x84: {  	_ =	shalt  }
0x85: {  	_ =	shalt  }
0x86: {  	_ =	shalt  }
0x87: {  	_ =	shalt  }
.Lfunc_end0:
.L_simem_size_0:
called_computation_lowered:
.L_overlay_start_0:
0x88: {  	s2 =	sld [smem:$0x3FD9]  }
0x89: {  	s3 =	sld [smem:$0x3FFE];
	_ =	sdelay $0x1  }
0x8a: {  	s1 =	srdreg.scid  }
0x8b: {  	s0 =	sand.u32 $0x1, s1  }
0x8c: {  	s17 =	sshll.u32 s0, $0xA;
	s2 =	sadd.s32 s3, s2  }
0x8d: {  	s2 =	sadd.s32 s2, s17  }
0x8e: {  	[smem:$0x3FC6] =	sst s2  }
0x8f: {  	_ = 	snop  }
0x90: {  	s2 =	sld [smem:$0x3FC9];
	(tm) =	ssettm $0x1  }
0x91: {  	s18 =	sld [smem:$0x3FFB];
	_ =	sdelay $0x3  }
0x92: {  	_ =	strace s18  }
0x93: {  	s3 =	sld [smem:$0x3FFC];
	_ =	sdelay $0x3  }
0x94: {  	_ =	strace s3  }
0x95: {  	s3 =	sld [smem:$0x3FFD];
	_ =	sdelay $0x3  }
0x96: {  	_ =	strace s3  }
0x97: {  	_ =	strace $0x8FFFFFFF  }
0x98: {  	s19 =	sld [smem:$0x3FDB];
	_ =	sdelay $0x1  }
0x99: {  	s4 =	simm.s32 $_scs_section_size  }
0x9a: {  	s5 =	simm.s32 $_size__tile_overlayer_lowered;
	s6 =	simm.s32 $_tile_overlayer_lowered  }
0x9b: {  	s22 =	simm.s32 $0x1BFF;
	s21 =	sshll.u32 s6, $0x1;
	s3 =	sadd.s32 s4, s19  }
0x9c: {  	s7 =	simm.s32 $0x0;
	s20 =	sshll.u32 s5, $0x1;
	s5 =	sadd.s32 s21, s3  }
0x9d: {  	[timem:s7], [sflag:s22] =	dma.local [hbm:s5], s20  }
0x9e: {  	_ =	swait.ge [sflag:s22], s20  }
0x9f: {  	s4 =	ssub.s32 $0x0, s20;
	[sflag:s22] =	ssyncset.done $0x0  }
0xa0: {  	[sflag:s22] =	ssyncadd.s32 s4;
	_ =	sdelay $0x1  }
0xa1: {  	s23 =	simm.s32 $0x1B8B  }
0xa2: {  	_ =	swait.ge [sflag:s23], $0x1  }
0xa3: {  	[sflag:s23] =	ssyncset.done $0x0  }
0xa4: {  	s25 =	simm.s32 $0x1B8E;
	s24 =	sld [smem:$0x3FFE];
	[sflag:s23] =	ssyncadd.s32 $0xFFFFFFFF  }
0xa5: {  	s26 =	simm.s32 $execute0_lowered;
	[smem:$0x3FD2] =	sst s25  }
0xa6: {  	s5 =	sshll.u32 s26, $0x1;
	_ =	strace $0x80000046;
	[dreg:$0x1] =	wrdreg $0xFFFFFFFF  }
0xa7: {  	s28 =	simm.s32 $_size_execute0_lowered;
	s3 =	sadd.s32 s3, s5;
	[dreg:$0x0] =	wrdreg $0x0  }
0xa8: {  	s5 =	sshll.u32 s28, $0x1;
	[dreg:$0x2] =	wrdreg s3  }
0xa9: {  	[dreg:$0x3] =	wrdreg s5  }
0xaa: {  	[dreg:$0x4] =	wrdreg $0xC0  }
0xab: {  	_ =	task [dreg:s7], $0x5FFFF  }
0xac: {  	[dreg:$0x1] =	wrdreg $0xFFFFFFFF  }
0xad: {  	[dreg:$0x0] =	wrdreg $0x60  }
0xae: {  	[dreg:$0x2] =	wrdreg s2  }
0xaf: {  	[dreg:$0x3] =	wrdreg s24  }
0xb0: {  	[dreg:$0x4] =	wrdreg $0x9  }
0xb1: {  	_ =	task.clear_ibuf [dreg:s7], $0x5FFFF;
	_ =	strace $0x90000046  }
0xb2: {  	s29 =	simm.s32 $0x9;
	_ =	strace $0x80000048  }
0xb3: {  	_ =	swait.ge [sflag:s29], $0x1  }
0xb4: {  	[sflag:s29] =	ssyncadd.s32 $0xFFFFFFFF  }
0xb5: {  	_ =	strace $0x90000048  }
0xb6: {  	_ =	sfence  }
0xb7: {  	s30 =	sld [smem:$0x0];
	_ =	sdelay $0x2  }
0xb8: {  	s31 =	sshll.u32 s1, $0xD;
	s1 =	sshrl.u32 s1, $0x2  }
0xb9: {  	s3 =	sand.u32 $0x4000, s31;
	s1 =	sadd.s32 s1, s30  }
0xba: {  	s0 =	sor.u32 s3, s0;
	s1 =	sshll.u32 s1, $0x11  }
0xbb: {  	s0 =	sor.u32 s1, s0  }
0xbc: {  	s0 =	sadd.s32 $0x8F2B, s0  }
0xbd: {  	[sflag:s0] =	ssyncadd.remote.s32 $0x1  }
0xbe: {  	_ =	sfence.sel $0xFFFF  }
0xbf: {  	[dreg:$0x0] =	wrdreg $0xFFFFFFFF;
	(pc) =	sbr.abs _section_cstart, $3  }
0xc0: {  	[dreg:$0x1] =	wrdreg $0xFFFFFFFF  }
0xc1: {  	_ =	task.clear_ibuf [dreg:s7], $0x2FFFF;
	_ =	strace $0x9FFFFFFF  }
0xc2: {  	(tm) =	ssettm $0x7FFFFFFF  }
0xc3: {  	_ =	shalt  }
tec
execute0_lowered:
.L_overlay_start_1:
0x0: {  	(tag) =	ssettag $0x1  }
0x1: {  	s1 =	srdreg.scid;
	s4 =	rddreg [dreg:$0x0]  }
0x2: {  	s0 =	stileid.u32;
	s5 =	rddreg [dreg:$0x1];
	s2 =	simm.s32 $0x0  }
0x3: {  	s3 =	sand.u32 $0x1, s1;
	s7 =	smul.u32 $0xF428, s0;
	[smem:$0x7FF] =	sst s2  }
0x4: {  	s1 =	rddreg [dreg:$0x2];
	s6 =	smul.u32 $0xF4280, s3;
	_ =	strace $0x80000047  }
0x5: {  	s8 =	ssub.s32 $0x2, s3;
	s9 =	sshll.u32 s3, $0xA;
	s3 =	sshll.u32 s3, $0xD  }
0x6: {  	s30 =	sshrl.u32 s8, $0x1;
	s4 =	sadd.s32 s4, s9;
	s6 =	sadd.s32 s7, s6  }
0x7: {  	s31 =	sadd.s32 $0xF428, s7;
	s9 =	simm.s32 $0x0;
	s6 =	sshrl.u32 s6, $0x3  }
0x8: {  	v0 =	vmov s7;
	s7 =	simm.s32 $0x1;
	s5 =	sadd.s32 s6, s5;
	s6 =	ssub.s32 s8, s30  }
0x9: {  	v2 =	vlaneseq.u32;
	v1 =	vmov s31;
	s8 =	simm.s32 $0x2000;
	s5 =	sadd.s32 $0xA00, s5;
	s6 =	smax.u32 s6, $0x1  }
.LBB2_1:
0xa: {  	[tilespmem:s2], [sflag:$0x1] =	stream.linear.gather [hbm4b:s4+s2], $0x2000, $0x38;
	[tilespmem:$0x11428] =	vst v63  }
0xb: {  	_ =	swait.ge [sflag:s7], $0x2000  }
0xc: {  	[sflag:s7] =	ssyncset.done $0x0  }
0xd: {  	s10 =	simm.s32 $0x20;
	s11 =	simm.s32 $0x0;
	[sflag:s7] =	ssyncadd.s32 $0xFFFFE000  }
.LBB2_2:
0xe: {  	v3 =	vld [tilespmem:s10+$0xFFFFFFE0];
	_ =	sdelay $0x4  }
0xf: {  	vm0 =	vge.s32 v3, v0;
	vm1 =	vlt.s32 v3, v1  }
0x10: {  	vm0 =	vmand vm0, vm1  }
0x11: {  	(xrf1) =	vunique.msk.u32 vm0, v3;
	_ =	sdelay $0xd  }
0x12: {  	_, v4, vm6 =	vpop (xrf1)  }
0x13: {  	v3 =	vsub.s32 v3, v0;
	vm0 =	vmand vm0, vm6  }
0x14: {  	v3 =	vnsel vm0, $0x0, v3;
	_ =	sdelay $0x2  }
0x15: {  	s12 =	sadd.s32 s11, s3  }
0x16: {  	v4 =	vor.u32 s12, v2  }
0x17: {  	[tilespmem:v3+s8+$0x0] =	vst.idx.msk vm0, v4  }
0x18: {  	v3 =	vld [tilespmem:s10+$0xFFFFFFF0];
	_ =	sdelay $0x4  }
0x19: {  	vm7 =	vge.s32 v3, v0;
	vm8 =	vlt.s32 v3, v1  }
0x1a: {  	vm0 =	vmand vm7, vm8  }
0x1b: {  	(xrf1) =	vunique.msk.u32 vm0, v3;
	_ =	sdelay $0xd  }
0x1c: {  	_, v61, vm9 =	vpop (xrf1)  }
0x1d: {  	v3 =	vsub.s32 v3, v0;
	vm0 =	vmand vm0, vm9  }
0x1e: {  	v3 =	vnsel vm0, $0x0, v3;
	_ =	sdelay $0x2  }
0x1f: {  	s13 =	sadd.s32 $0x10, s12  }
0x20: {  	v4 =	vor.u32 s13, v2  }
0x21: {  	[tilespmem:v3+s8+$0x0] =	vst.idx.msk vm0, v4  }
0x22: {  	v3 =	vld [tilespmem:s10+$0x0];
	_ =	sdelay $0x4  }
0x23: {  	vm10 =	vge.s32 v3, v0;
	vm11 =	vlt.s32 v3, v1  }
0x24: {  	vm0 =	vmand vm10, vm11  }
0x25: {  	(xrf1) =	vunique.msk.u32 vm0, v3;
	_ =	sdelay $0xd  }
0x26: {  	_, v62, vm12 =	vpop (xrf1)  }
0x27: {  	v3 =	vsub.s32 v3, v0;
	vm0 =	vmand vm0, vm12  }
0x28: {  	v3 =	vnsel vm0, $0x0, v3;
	_ =	sdelay $0x2  }
0x29: {  	s31 =	sadd.s32 $0x20, s12  }
0x2a: {  	v4 =	vor.u32 s31, v2  }
0x2b: {  	[tilespmem:v3+s8+$0x0] =	vst.idx.msk vm0, v4  }
0x2c: {  	v3 =	vld [tilespmem:s10+$0x10];
	_ =	sdelay $0x4  }
0x2d: {  	vm13 =	vge.s32 v3, v0;
	vm14 =	vlt.s32 v3, v1  }
0x2e: {  	vm0 =	vmand vm13, vm14  }
0x2f: {  	(xrf1) =	vunique.msk.u32 vm0, v3;
	_ =	sdelay $0xd  }
0x30: {  	_, v63, vm15 =	vpop (xrf1)  }
0x31: {  	v3 =	vsub.s32 v3, v0;
	vm0 =	vmand vm0, vm15  }
0x32: {  	p0 =	sne.s32 s11, $0x1FC0;
	v3 =	vnsel vm0, $0x0, v3  }
.Ltmp0:
0x33: {  	_ = 	snop;
	(pc) =	sbr.rel @p0 .LBB2_2-.Ltmp0, $4  }
0x34: {  	_ = 	snop  }
0x35: {  	s12 =	sadd.s32 $0x30, s12  }
0x36: {  	v4 =	vor.u32 s12, v2  }
0x37: {  	s11 =	sadd.s32 $0x40, s11;
	s10 =	sadd.s32 $0x40, s10;
	[tilespmem:v3+s8+$0x0] =	vst.idx.msk vm0, v4  }
0x38: {  	s9 =	sadd.s32 $0x1, s9  }
0x39: {  	p0 =	sne.s32 s9, s6  }
.Ltmp1:
0x3a: {  	_ = 	snop;
	(pc) =	sbr.rel @p0 .LBB2_1-.Ltmp1, $4  }
0x3b: {  	[hbm4b:s5+s2] =	stream.linear.scatter [tilespmem:s8], [sflag:$0x1], $0xF428, $0x38;
	[tilespmem:$0x11428] =	vst v63  }
0x3c: {  	_ =	swait.ge [sflag:s7], $0xF428  }
0x3d: {  	[sflag:s7] =	ssyncset.done $0x0  }
0x3e: {  	[sflag:s7] =	ssyncadd.s32 $0xFFFF0BD8  }
0x3f: {  	_ =	sfence.sel $0x180000  }
0x40: {  	[bflag:$0x0] =	sbarrier.arrive $0xFFFF  }
0x41: {  	p0 =	sne.s32 s0, $0x0;
	_ =	strace $0x90000047  }
0x42: {  	s0 =	sadd.s32 @!p0 $0x100000, s1;
	[bflag:$0x2] =	sbarrier.arrive $0xFFFF  }
0x43: {  	[sflag:s0] =	ssyncadd.tile.s32 @!p0 $0x1;
	_ =	shalt  }
.Lfunc_end2:
_tile_overlayer_lowered:
.L_overlay_start_2:
0x44: {  	(tag) =	ssettag $0x2  }
0x45: {  	s0 =	rddreg [dreg:$0x0];
	s2 =	stileid.u32  }
0x46: {  	s1 =	rddreg [dreg:$0x1];
	p0 =	sne.s32 s2, $0x0  }
0x47: {  	s3 =	rddreg [dreg:$0x2];
	[bflag:$0x3] =	sbarrier.arrive $0xFFFF;
	s2 =	simm.s32 @!p0 $0x1C01  }
0x48: {  	[timem:s3], [sflag:s2] =	dma.local @!p0 [hbm:s0], s1  }
0x49: {  	s0 =	simm.s32 @!p0 $0x1  }
0x4a: {  	_ =	swait.ge @!p0 [sflag:s0], s1  }
0x4b: {  	s1 =	ssub.s32 @!p0 $0x0, s1;
	[sflag:s0] =	ssyncset.done @!p0 $0x0  }
0x4c: {  	[sflag:s0] =	ssyncadd.s32 @!p0 s1  }
0x4d: {  	[bflag:$0x3] =	sbarrier.arrive $0xFFFF  }
0x4e: {  	_ =	shalt  }

// kernel: kernel.7.cloned.1.call-start
scs
__scs_entry_jumppad:
0x0: {  	(pc) =	sbr.rel $0x88, $3  }
0x1: {  	(tag) =	ssettag $0x0;
	lr =	simm.s32 $0x1  }
0x2: {  	[smem:$0x3F9F] =	sst lr;
	_ =	strace $0xD0000000  }
0x3: {  	_ = 	snop  }
0x4: {  	_ = 	snop  }
0x5: {  	_ = 	snop  }
0x6: {  	_ = 	snop  }
0x7: {  	_ = 	snop  }
__scs_overlays_trampoline_lowered:
0x8: {  	[smem:$0x3FAE] =	sst s0  }
0x9: {  	[smem:$0x3FAF] =	sst s1  }
0xa: {  	[smem:$0x3FB0] =	sst s2  }
0xb: {  	[smem:$0x3FB1] =	sst s3  }
0xc: {  	[smem:$0x3FB2] =	sst s4  }
0xd: {  	[smem:$0x3FB3] =	sst s5  }
0xe: {  	[smem:$0x3FB4] =	sst s6  }
0xf: {  	[smem:$0x3FB5] =	sst s7  }
0x10: {  	[smem:$0x3FB6] =	sst s8  }
0x11: {  	[smem:$0x3FB7] =	sst s9;
	s0 =	simm.s32 @!p0 $0x0  }
0x12: {  	s1 =	sld [smem:$0x3F9D];
	s0 =	simm.s32 @p0 $0x1  }
0x13: {  	[smem:$0x3FB8] =	sst s0;
	s0 =	simm.s32 @!p1 $0x0  }
0x14: {  	s2 =	sld [smem:$0x3F9C];
	s0 =	simm.s32 @p1 $0x1  }
0x15: {  	[smem:$0x3FB9] =	sst s0;
	s0 =	simm.s32 @!p2 $0x0  }
0x16: {  	s3 =	sld [smem:$0x3FDB];
	s0 =	simm.s32 @p2 $0x1  }
0x17: {  	s4 =	simm.s32 $0x1BF5;
	[smem:$0x3FBB] =	sst s0  }
0x18: {  	s0 =	sld [smem:$0x3F9E];
	_ =	swait.ge [sflag:s4], $0x0  }
0x19: {  	s7 =	sld [smem:$0x3F9F]  }
0x1a: {  	s8 =	sadd.s32 $0xFFFFE003, lr  }
0x1b: {  	s9 =	sadd.s32 $0xFFFFFEF7, lr;
	s5 =	simm.s32 $0xFFFFFFFF;
	p2 =	slt.u32 s8, $0xFFFFF086  }
0x1c: {  	p1 =	slt.u32 s9, $0xF7A;
	s5 =	simm.s32 @!p2 $0x0  }
0x1d: {  	s5 =	simm.s32 @p1 $0x1;
	p0 =	seq.s32 s7, s2  }
0x1e: {  	s7 =	smul.u32 @!p0 $0xF7A, s2;
	p2 =	seq.s32 @!p0 s5, $0x0  }
0x1f: {  	s9 =	smul.u32 $0xF7A, s1;
	s8 =	simm.s32 @!p0 $0x1BF5;
	p2 =	por !p2, p0  }
0x20: {  	[sflag:s8] =	ssyncset.s32 @!p0 $0xFFFFF086;
	s6 =	sadd.s32 @!p0 s3, s7;
	s7 =	simm.s32 @!p0 $0x108  }
0x21: {  	s3 =	sadd.s32 s3, s9;
	s6 =	sadd.s32 @!p0 $0x88, s6;
	s7 =	simm.s32 @p2 $0x1082  }
0x22: {  	[simem:s7], [sflag:s8] =	dma.local @!p0 [hbm:s6], $0xF7A  }
0x23: {  	s9 =	sor.u32 $0xD0000000, s2;
	s6 =	simm.s32 $0x108;
	_ =	swait.ge @!p0 [sflag:s8], $0x0  }
0x24: {  	s3 =	sadd.s32 $0x88, s3;
	s6 =	simm.s32 @!p1 $0x1082;
	[sflag:s4] =	ssyncset.s32 $0xFFFFF086  }
0x25: {  	[simem:s6], [sflag:s4] =	dma.local [hbm:s3], $0xF7A  }
0x26: {  	[smem:$0x3F9F] =	sst s1;
	(tag) =	ssettag s2;
	_ =	strace s9  }
0x27: {  	s1 =	sld [smem:$0x3FAF]  }
0x28: {  	s2 =	sld [smem:$0x3FB0]  }
0x29: {  	s4 =	sld [smem:$0x3FB2]  }
0x2a: {  	p0 =	seq.s32 s5, $0x0;
	s5 =	sld [smem:$0x3FB3]  }
0x2b: {  	s6 =	sld [smem:$0x3FB4]  }
0x2c: {  	s7 =	sld [smem:$0x3FB5]  }
0x2d: {  	s3 =	simm.s32 $0x108;
	s8 =	sld [smem:$0x3FB6]  }
0x2e: {  	s3 =	simm.s32 @!p0 $0x1082;
	s9 =	sld [smem:$0x3FB7]  }
0x2f: {  	lr =	sadd.s32 s0, s3;
	s0 =	sld [smem:$0x3FAE]  }
0x30: {  	s3 =	sld [smem:$0x3FB1]  }
0x31: {  	[smem:$0x3FBA] =	sst s10  }
0x32: {  	s10 =	sld [smem:$0x3FB8];
	_ =	sdelay $0x3  }
0x33: {  	p0 =	seq.s32 s10, $0x1;
	s10 =	sld [smem:$0x3FBA];
	_ =	sdelay $0x3  }
0x34: {  	[smem:$0x3FBA] =	sst s10  }
0x35: {  	s10 =	sld [smem:$0x3FB9];
	_ =	sdelay $0x3  }
0x36: {  	p1 =	seq.s32 s10, $0x1;
	s10 =	sld [smem:$0x3FBA];
	_ =	sdelay $0x3  }
0x37: {  	[smem:$0x3FBA] =	sst s10  }
0x38: {  	s10 =	sld [smem:$0x3FBB]  }
0x39: {  	_ = 	snop;
	(pc) =	sbr.ind lr, $3  }
0x3a: {  	_ = 	snop  }
0x3b: {  	_ = 	snop  }
0x3c: {  	p2 =	seq.s32 s10, $0x1;
	s10 =	sld [smem:$0x3FBA]  }
0x3d: {  	_ =	shalt  }
0x3e: {  	_ =	shalt  }
0x3f: {  	_ =	shalt  }
0x40: {  	_ =	shalt  }
0x41: {  	_ =	shalt  }
0x42: {  	_ =	shalt  }
0x43: {  	_ =	shalt  }
0x44: {  	_ =	shalt  }
0x45: {  	_ =	shalt  }
0x46: {  	_ =	shalt  }
0x47: {  	_ =	shalt  }
0x48: {  	_ =	shalt  }
0x49: {  	_ =	shalt  }
0x4a: {  	_ =	shalt  }
0x4b: {  	_ =	shalt  }
0x4c: {  	_ =	shalt  }
0x4d: {  	_ =	shalt  }
0x4e: {  	_ =	shalt  }
0x4f: {  	_ =	shalt  }
0x50: {  	_ =	shalt  }
0x51: {  	_ =	shalt  }
0x52: {  	_ =	shalt  }
0x53: {  	_ =	shalt  }
0x54: {  	_ =	shalt  }
0x55: {  	_ =	shalt  }
0x56: {  	_ =	shalt  }
0x57: {  	_ =	shalt  }
0x58: {  	_ =	shalt  }
0x59: {  	_ =	shalt  }
0x5a: {  	_ =	shalt  }
0x5b: {  	_ =	shalt  }
0x5c: {  	_ =	shalt  }
0x5d: {  	_ =	shalt  }
0x5e: {  	_ =	shalt  }
0x5f: {  	_ =	shalt  }
0x60: {  	_ =	shalt  }
0x61: {  	_ =	shalt  }
0x62: {  	_ =	shalt  }
0x63: {  	_ =	shalt  }
0x64: {  	_ =	shalt  }
0x65: {  	_ =	shalt  }
0x66: {  	_ =	shalt  }
0x67: {  	_ =	shalt  }
0x68: {  	_ =	shalt  }
0x69: {  	_ =	shalt  }
0x6a: {  	_ =	shalt  }
0x6b: {  	_ =	shalt  }
0x6c: {  	_ =	shalt  }
0x6d: {  	_ =	shalt  }
0x6e: {  	_ =	shalt  }
0x6f: {  	_ =	shalt  }
0x70: {  	_ =	shalt  }
0x71: {  	_ =	shalt  }
0x72: {  	_ =	shalt  }
0x73: {  	_ =	shalt  }
0x74: {  	_ =	shalt  }
0x75: {  	_ =	shalt  }
0x76: {  	_ =	shalt  }
0x77: {  	_ =	shalt  }
0x78: {  	_ =	shalt  }
0x79: {  	_ =	shalt  }
0x7a: {  	_ =	shalt  }
0x7b: {  	_ =	shalt  }
0x7c: {  	_ =	shalt  }
0x7d: {  	_ =	shalt  }
0x7e: {  	_ =	shalt  }
0x7f: {  	_ =	shalt  }
0x80: {  	_ =	shalt  }
0x81: {  	_ =	shalt  }
0x82: {  	_ =	shalt  }
0x83: {  	_ =	shalt  }
0x84: {  	_ =	shalt  }
0x85: {  	_ =	shalt  }
0x86: {  	_ =	shalt  }
0x87: {  	_ =	shalt  }
.Lfunc_end0:
.L_simem_size_0:
called_computation.1_lowered:
.L_overlay_start_0:
0x88: {  	s2 =	sld [smem:$0x3FD9]  }
0x89: {  	s3 =	sld [smem:$0x3FFE];
	_ =	sdelay $0x1  }
0x8a: {  	s1 =	srdreg.scid  }
0x8b: {  	s0 =	sand.u32 $0x1, s1  }
0x8c: {  	s17 =	sshll.u32 s0, $0xA;
	s2 =	sadd.s32 s3, s2  }
0x8d: {  	s2 =	sadd.s32 s2, s17  }
0x8e: {  	[smem:$0x3FC6] =	sst s2  }
0x8f: {  	_ = 	snop  }
0x90: {  	s2 =	sld [smem:$0x3FC9]  }
0x91: {  	s18 =	sld [smem:$0x3FD0];
	(tm) =	ssettm $0x1  }
0x92: {  	s4 =	sld [smem:$0x3FFB];
	_ =	sdelay $0x3  }
0x93: {  	_ =	strace s4  }
0x94: {  	s4 =	sld [smem:$0x3FFC];
	_ =	sdelay $0x3  }
0x95: {  	_ =	strace s4  }
0x96: {  	s4 =	sld [smem:$0x3FFD];
	_ =	sdelay $0x3  }
0x97: {  	_ =	strace s4  }
0x98: {  	_ =	strace $0x8FFFFFFF  }
0x99: {  	s19 =	sld [smem:$0x3FDB];
	_ =	sdelay $0x1  }
0x9a: {  	s5 =	simm.s32 $_scs_section_size  }
0x9b: {  	s6 =	simm.s32 $_size__tile_overlayer_lowered;
	s7 =	simm.s32 $_tile_overlayer_lowered  }
0x9c: {  	s22 =	simm.s32 $0x1BFF;
	s21 =	sshll.u32 s7, $0x1;
	s4 =	sadd.s32 s5, s19  }
0x9d: {  	s8 =	simm.s32 $0x0;
	s20 =	sshll.u32 s6, $0x1;
	s6 =	sadd.s32 s21, s4  }
0x9e: {  	[timem:s8], [sflag:s22] =	dma.local [hbm:s6], s20  }
0x9f: {  	_ =	swait.ge [sflag:s22], s20  }
0xa0: {  	s5 =	ssub.s32 $0x0, s20;
	[sflag:s22] =	ssyncset.done $0x0  }
0xa1: {  	[sflag:s22] =	ssyncadd.s32 s5;
	_ =	sdelay $0x1  }
0xa2: {  	s23 =	simm.s32 $0x1B8B  }
0xa3: {  	_ =	swait.ge [sflag:s23], $0x1  }
0xa4: {  	[sflag:s23] =	ssyncset.done $0x0  }
0xa5: {  	s25 =	simm.s32 $0x1B8E;
	s24 =	sld [smem:$0x3FFE];
	[sflag:s23] =	ssyncadd.s32 $0xFFFFFFFF  }
0xa6: {  	s26 =	simm.s32 $execute0_lowered;
	[smem:$0x3FD2] =	sst s25  }
0xa7: {  	s6 =	sshll.u32 s26, $0x1;
	_ =	strace $0x80000049;
	[dreg:$0x1] =	wrdreg $0xFFFFFFFF  }
0xa8: {  	s28 =	simm.s32 $_size_execute0_lowered;
	s4 =	sadd.s32 s4, s6;
	[dreg:$0x0] =	wrdreg $0x0  }
0xa9: {  	s6 =	sshll.u32 s28, $0x1;
	[dreg:$0x2] =	wrdreg s4  }
0xaa: {  	[dreg:$0x3] =	wrdreg s6  }
0xab: {  	[dreg:$0x4] =	wrdreg $0xC0  }
0xac: {  	_ =	task [dreg:s8], $0x5FFFF  }
0xad: {  	[dreg:$0x1] =	wrdreg $0xFFFFFFFF  }
0xae: {  	[dreg:$0x0] =	wrdreg $0x60  }
0xaf: {  	[dreg:$0x2] =	wrdreg s2  }
0xb0: {  	[dreg:$0x3] =	wrdreg s18  }
0xb1: {  	[dreg:$0x4] =	wrdreg s24  }
0xb2: {  	[dreg:$0x5] =	wrdreg $0x9  }
0xb3: {  	_ =	task.clear_ibuf [dreg:s8], $0x6FFFF;
	_ =	strace $0x90000049  }
0xb4: {  	s29 =	simm.s32 $0x9;
	_ =	strace $0x8000004B  }
0xb5: {  	_ =	swait.ge [sflag:s29], $0x1  }
0xb6: {  	[sflag:s29] =	ssyncadd.s32 $0xFFFFFFFF  }
0xb7: {  	_ =	strace $0x9000004B  }
0xb8: {  	_ =	sfence  }
0xb9: {  	s30 =	sld [smem:$0x0];
	_ =	sdelay $0x2  }
0xba: {  	s31 =	sshll.u32 s1, $0xD;
	s1 =	sshrl.u32 s1, $0x2  }
0xbb: {  	s3 =	sand.u32 $0x4000, s31;
	s1 =	sadd.s32 s1, s30  }
0xbc: {  	s0 =	sor.u32 s3, s0;
	s1 =	sshll.u32 s1, $0x11  }
0xbd: {  	s0 =	sor.u32 s1, s0  }
0xbe: {  	s0 =	sadd.s32 $0x8F2B, s0  }
0xbf: {  	[sflag:s0] =	ssyncadd.remote.s32 $0x1  }
0xc0: {  	_ =	sfence.sel $0xFFFF  }
0xc1: {  	[dreg:$0x0] =	wrdreg $0xFFFFFFFF;
	(pc) =	sbr.abs _section_cstart, $3  }
0xc2: {  	[dreg:$0x1] =	wrdreg $0xFFFFFFFF  }
0xc3: {  	_ =	task.clear_ibuf [dreg:s8], $0x2FFFF;
	_ =	strace $0x9FFFFFFF  }
0xc4: {  	(tm) =	ssettm $0x7FFFFFFF  }
0xc5: {  	_ =	shalt  }
tec
execute0_lowered:
.L_overlay_start_1:
0x0: {  	(tag) =	ssettag $0x1  }
0x1: {  	s1 =	rddreg [dreg:$0x0]  }
0x2: {  	s2 =	rddreg [dreg:$0x1]  }
0x3: {  	s6 =	rddreg [dreg:$0x2]  }
0x4: {  	s0 =	rddreg [dreg:$0x3];
	s4 =	simm.s32 $0x0;
	s5 =	srdreg.scid  }
0x5: {  	s3 =	stileid.u32;
	s11 =	simm.s32 $0x200;
	s12 =	simm.s32 $0x600  }
0x6: {  	s13 =	simm.s32 $0x1;
	s14 =	simm.s32 $0xA00;
	s15 =	simm.s32 $0xC00  }
0x7: {  	s16 =	simm.s32 $0xE00;
	s17 =	simm.s32 $0x1000;
	s18 =	simm.s32 $0x0  }
0x8: {  	[smem:$0x7FF] =	sst s4;
	s7 =	sand.u32 $0x1, s5;
	s8 =	sshll.u32 s3, $0xA  }
0x9: {  	s5 =	sadd.s32 $0xA00, s6;
	s9 =	sshll.u32 s7, $0x9;
	s7 =	ssub.s32 $0x2, s7  }
0xa: {  	_ =	strace $0x8000004A;
	s8 =	sor.u32 s9, s8;
	s10 =	sshrl.u32 s7, $0x1  }
0xb: {  	s9 =	sshll.u32 s8, $0x1;
	s8 =	sshrl.u32 s8, $0x3;
	s10 =	ssub.s32 s7, s10  }
0xc: {  	s9 =	sadd.s32 s9, s6;
	s6 =	sadd.s32 s1, s8;
	s8 =	smax.u32 s10, $0x1  }
0xd: {  	s10 =	simm.s32 $0x400;
	s7 =	sadd.s32 $0x3DC00, s9;
	s9 =	simm.s32 $0x2  }
.LBB2_1:
0xe: {  	[tilespmem:s4], [sflag:$0x2] =	stream.linear.gather [hbm4b:s6+s4], $0x200, $0x38;
	[tilespmem:$0x3000] =	vst v63  }
0xf: {  	_ =	swait.ge [sflag:s9], $0x200  }
0x10: {  	[sflag:s9] =	ssyncset.done $0x0  }
0x11: {  	s19 =	simm.s32 $0x0;
	[sflag:s9] =	ssyncadd.s32 $0xFFFFFE00  }
0x12: {  	s20 =	simm.s32 $0x40;
	v0 =	vld [tilespmem:s19+$0x0]  }
.LBB2_2:
0x13: {  	p0 =	sne.s32 s20, $0x7C0  }
.Ltmp0:
0x14: {  	_ = 	snop;
	(pc) =	sbr.rel @p0 .LBB2_2-.Ltmp0, $3  }
0x15: {  	_ =	sdelay $0x1  }
0x16: {  	s21 =	sshra.s32 s20, $0x2;
	s20 =	sadd.s32 $0x40, s20;
	[tilespmem:s19+$0x200] =	vst v0;
	v1 =	vadd.s32 $0xF4280, v0  }
0x17: {  	v0 =	vld [tilespmem:s21+$0x0];
	[tilespmem:s19+$0x400] =	vst v1;
	s19 =	smov.u32 s21  }
0x18: {  	_ =	sdelay $0x3  }
0x19: {  	[tilespmem:s19+$0x200] =	vst v0;
	v0 =	vadd.s32 $0xF4280, v0  }
0x1a: {  	[tilespmem:s19+$0x400] =	vst v0  }
0x1b: {  	[tilespmem:s12], [sflag:$0x1] =	stream.indirect.gather [hbm4b:s5+s10], $0x1, s11, s10, $0xb8;
	[tilespmem:$0x3000] =	vst v63  }
0x1c: {  	_ =	swait.ge [sflag:s13], $0x400  }
0x1d: {  	[sflag:s13] =	ssyncset.done $0x0  }
0x1e: {  	s19 =	simm.s32 $0x0;
	[sflag:s13] =	ssyncadd.s32 $0xFFFFFC00  }
0x1f: {  	v0 =	vld [tilespmem:s19+$0x800]  }
0x20: {  	v1 =	vld [tilespmem:s19+$0x0];
	_ =	sdelay $0x1  }
0x21: {  	s20 =	simm.s32 $0x40  }
.LBB2_4:
0x22: {  	p0 =	sne.s32 s20, $0x7C0  }
.Ltmp1:
0x23: {  	s21 =	sshra.s32 s20, $0x2;
	v2 =	vmov v0;
	(pc) =	sbr.rel @p0 .LBB2_4-.Ltmp1, $4  }
0x24: {  	s20 =	sadd.s32 $0x40, s20;
	v0 =	vld [tilespmem:s21+$0x800];
	v3 =	vand.u32 $0xFFFFE000, v2;
	v4 =	vand.u32 $0x1FFF, v1  }
0x25: {  	v1 =	vld [tilespmem:s21+$0x0];
	vm0 =	veq.s32 v3, $0x2000;
	v3 =	vor.u32 $0x2000, v4  }
0x26: {  	v2 =	vsel vm0, v2, v3  }
0x27: {  	[tilespmem:s19+$0xA00] =	vst v2;
	s19 =	smov.u32 s21  }
0x28: {  	_ =	sdelay $0x1  }
0x29: {  	v2 =	vand.u32 $0xFFFFE000, v0;
	v1 =	vand.u32 $0x1FFF, v1  }
0x2a: {  	vm0 =	veq.s32 v2, $0x2000;
	v1 =	vor.u32 $0x2000, v1  }
0x2b: {  	v0 =	vsel vm0, v0, v1  }
0x2c: {  	[tilespmem:s19+$0xA00] =	vst v0  }
0x2d: {  	[tilespmem:s15], [sflag:$0x1] =	stream.indirect.gather [hbm4b:s1+s11], $0x1, s14, s11, $0xb8;
	[tilespmem:$0x3000] =	vst v63  }
0x2e: {  	_ =	swait.ge [sflag:s13], $0x200  }
0x2f: {  	[sflag:s13] =	ssyncset.done $0x0  }
0x30: {  	s19 =	simm.s32 $0x0;
	[sflag:s13] =	ssyncadd.s32 $0xFFFFFE00  }
0x31: {  	v0 =	vld [tilespmem:s19+$0xA00]  }
0x32: {  	v1 =	vld [tilespmem:s19+$0xC00]  }
0x33: {  	v2 =	vld [tilespmem:s19+$0x0]  }
0x34: {  	s20 =	simm.s32 $0x40;
	v3 =	vld [tilespmem:s19+$0x600]  }
.LBB2_6:
0x35: {  	p0 =	sne.s32 s20, $0x7C0  }
.Ltmp2:
0x36: {  	s21 =	sshra.s32 s20, $0x2;
	v4 =	vmov v0;
	(pc) =	sbr.rel @p0 .LBB2_6-.Ltmp2, $4  }
0x37: {  	v0 =	vld [tilespmem:s21+$0xA00]  }
0x38: {  	s20 =	sadd.s32 $0x40, s20;
	vm0 =	veq.s32 v1, v2;
	v1 =	vld [tilespmem:s21+$0xC00]  }
0x39: {  	v2 =	vld [tilespmem:s21+$0x0];
	v4 =	vsel vm0, v4, v3  }
0x3a: {  	v3 =	vld [tilespmem:s21+$0x600];
	[tilespmem:s19+$0xE00] =	vst v4;
	s19 =	smov.u32 s21  }
0x3b: {  	_ =	sdelay $0x2  }
0x3c: {  	vm0 =	veq.s32 v1, v2  }
0x3d: {  	v0 =	vsel vm0, v0, v3  }
0x3e: {  	[tilespmem:s19+$0xE00] =	vst v0  }
0x3f: {  	[tilespmem:s17], [sflag:$0x1] =	stream.indirect.gather [hbm4b:s2+s11], $0x10, s16, s11, $0xb8;
	[tilespmem:$0x3000] =	vst v63  }
0x40: {  	s18 =	sadd.s32 $0x1, s18;
	_ =	swait.ge [sflag:s13], $0x2000  }
0x41: {  	p0 =	sne.s32 s18, s8;
	[sflag:s13] =	ssyncset.done $0x0  }
.Ltmp3:
0x42: {  	[sflag:s13] =	ssyncadd.s32 $0xFFFFE000;
	(pc) =	sbr.rel @p0 .LBB2_1-.Ltmp3, $4  }
0x43: {  	[hbm4b:s7+s4] =	stream.linear.scatter [tilespmem:s17], [sflag:$0x2], $0x2000, $0x38;
	[tilespmem:$0x3000] =	vst v63  }
0x44: {  	_ =	swait.ge [sflag:s9], $0x2000  }
0x45: {  	[sflag:s9] =	ssyncset.done $0x0  }
0x46: {  	[sflag:s9] =	ssyncadd.s32 $0xFFFFE000  }
0x47: {  	_ =	sfence.sel $0x180000  }
0x48: {  	[bflag:$0x0] =	sbarrier.arrive $0xFFFF  }
0x49: {  	p0 =	sne.s32 s3, $0x0;
	_ =	strace $0x9000004A  }
0x4a: {  	s0 =	sadd.s32 @!p0 $0x100000, s0;
	[bflag:$0x2] =	sbarrier.arrive $0xFFFF  }
0x4b: {  	[sflag:s0] =	ssyncadd.tile.s32 @!p0 $0x1;
	_ =	shalt  }
.Lfunc_end2:
_tile_overlayer_lowered:
.L_overlay_start_2:
0x4c: {  	(tag) =	ssettag $0x2  }
0x4d: {  	s0 =	rddreg [dreg:$0x0];
	s2 =	stileid.u32  }
0x4e: {  	s1 =	rddreg [dreg:$0x1];
	p0 =	sne.s32 s2, $0x0  }
0x4f: {  	s3 =	rddreg [dreg:$0x2];
	[bflag:$0x3] =	sbarrier.arrive $0xFFFF;
	s2 =	simm.s32 @!p0 $0x1C02  }
0x50: {  	[timem:s3], [sflag:s2] =	dma.local @!p0 [hbm:s0], s1  }
0x51: {  	s0 =	simm.s32 @!p0 $0x2  }
0x52: {  	_ =	swait.ge @!p0 [sflag:s0], s1  }
0x53: {  	s1 =	ssub.s32 @!p0 $0x0, s1;
	[sflag:s0] =	ssyncset.done @!p0 $0x0  }
0x54: {  	[sflag:s0] =	ssyncadd.s32 @!p0 s1  }
0x55: {  	[bflag:$0x3] =	sbarrier.arrive $0xFFFF  }
0x56: {  	_ =	shalt  }

</sc_bundles>
